<compile_context>
chip_gen: v7x
topology: tpu7x:2x2x1
jax: 0.10.2.dev20260603
libtpu: 0.0.44.dev20260713+nightly
codegen_flags: <defaults>
</compile_context>

<pallas_src>
import jax
import jax.numpy as jnp
from jax.experimental import pallas as pl
from jax.experimental.pallas import tpu as pltpu


def _pool_ln_kernel(x_ref, w_ref, b_ref, q_ref):
    xb = x_ref[...]
    avg = jnp.mean(xb, axis=-1)
    mu = jnp.mean(avg, axis=-1, keepdims=True)
    var = jnp.mean((avg - mu) ** 2, axis=-1, keepdims=True)
    q_ref[...] = (avg - mu) / jnp.sqrt(var + 1e-5) * w_ref[...] + b_ref[...]


def _attn_argmax_kernel(q_ref, idx_ref, *, n, scale):
    q = q_ref[0]
    a = jnp.dot(q, q.T) * scale
    rows = jax.lax.broadcasted_iota(jnp.int32, (n, n), 0)
    cols = jax.lax.broadcasted_iota(jnp.int32, (n, n), 1)
    a = jnp.where(rows == cols, a - 100.0, a)
    idx_ref[0, 0] = jnp.argmax(a, axis=-1).astype(jnp.int32)


def _gather_kernel(idx_ref, src_ref, out_ref):
    del idx_ref
    out_ref[...] = src_ref[...]


def kernel(x, ln_w, ln_b):
    b, n, c, h, w = x.shape
    hw = h * w
    scale = c ** (-0.5)
    x_flat = x.reshape(b * n, c, hw)

    R = 64
    q = pl.pallas_call(
        _pool_ln_kernel,
        grid=(b * n // R,),
        in_specs=[
            pl.BlockSpec((R, c, hw), lambda i: (i, 0, 0)),
            pl.BlockSpec((1, c), lambda i: (0, 0)),
            pl.BlockSpec((1, c), lambda i: (0, 0)),
        ],
        out_specs=pl.BlockSpec((R, c), lambda i: (i, 0)),
        out_shape=jax.ShapeDtypeStruct((b * n, c), x.dtype),
    )(x_flat, ln_w.reshape(1, c), ln_b.reshape(1, c))
    q = q.reshape(b, n, c)

    import functools
    idx = pl.pallas_call(
        functools.partial(_attn_argmax_kernel, n=n, scale=scale),
        grid=(b,),
        in_specs=[pl.BlockSpec((1, n, c), lambda i: (i, 0, 0))],
        out_specs=pl.BlockSpec((1, 1, n), lambda i: (i, 0, 0)),
        out_shape=jax.ShapeDtypeStruct((b, 1, n), jnp.int32),
    )(q)
    idx_flat = idx.reshape(b * n)

    y = pl.pallas_call(
        _gather_kernel,
        grid_spec=pltpu.PrefetchScalarGridSpec(
            num_scalar_prefetch=1,
            grid=(b * n,),
            in_specs=[pl.BlockSpec((1, c, hw), lambda i, idx_ref: (idx_ref[i], 0, 0))],
            out_specs=pl.BlockSpec((1, c, hw), lambda i, idx_ref: (i, 0, 0)),
        ),
        out_shape=jax.ShapeDtypeStruct((b * n, c, hw), x.dtype),
    )(idx_flat, x_flat)
    return y.reshape(b, n, c, h, w)

# --- scband reference (transcript-rebuilt; emitter-appended) ---
"""Pipeline reference for scband-match-11888469475644 (READ-ONLY COPY).

The authoritative reference and input builder live on the scoring server;
editing this copy changes nothing except your own understanding.
"""

import jax, jax.numpy as jnp
import numpy as np


def setup_inputs(seed: int = 0) -> dict:
    key = jax.random.key(seed)
    kx = jax.random.fold_in(key, 0)
    x = jax.random.normal(kx, (2, 1024, 96, 16, 16), dtype=jnp.float32)
    ln_w = jnp.ones((96,), dtype=jnp.float32)
    ln_b = jnp.zeros((96,), dtype=jnp.float32)
    return {"x": x, "ln_w": ln_w, "ln_b": ln_b}


def reference(x, ln_w, ln_b):
    b, n, c, h, w = x.shape
    scale = c ** (-0.5)
    # avg pool over spatial dims
    avg_fea = x.mean(axis=(-2, -1))  # [b, n, c]
    # LayerNorm over last dim (eps=1e-5, elementwise affine)
    mu = avg_fea.mean(axis=-1, keepdims=True)
    var = jnp.mean((avg_fea - mu) ** 2, axis=-1, keepdims=True)
    q = (avg_fea - mu) / jnp.sqrt(var + 1e-5) * ln_w + ln_b  # [b, n, c]
    attn = jnp.matmul(q, jnp.swapaxes(q, -1, -2)) * scale  # [b, n, n]
    attn = attn - 100.0 * jnp.eye(n, dtype=attn.dtype)[None, :, :]
    # eval path: argmax over last dim, then gather patches
    indices = jnp.argmax(attn, axis=-1)  # [b, n], values in [0, n)
    indices = indices.reshape(-1)  # [b*n] (faithful to torch: values stay in [0, n))
    v = x.reshape(b * n, c, h, w)
    y = jnp.take(v, indices, axis=0)  # [b*n, c, h, w]
    y = y.reshape(b, n, c, h, w)
    return y

if __name__ == "__main__":
    import jax
    _d = setup_inputs()
    print(jax.jit(kernel)(*tuple(_d.values())))

</pallas_src>

<mosaic_0001>
module attributes {stable_mosaic.version = 14 : i64} {
  func.func @_pool_ln_kernel(%arg0: i32, %arg1: memref<64x96x256xf32, #tpu.memory_space<vmem>>, %arg2: memref<1x96xf32, #tpu.memory_space<vmem>>, %arg3: memref<1x96xf32, #tpu.memory_space<vmem>>, %arg4: memref<64x96xf32, #tpu.memory_space<vmem>>) attributes {dimension_semantics = [#tpu.dimension_semantics<arbitrary>], iteration_bounds = array<i64: 32>, scalar_prefetch = 0 : i64, scratch_operands = 0 : i64, tpu.core_type = #tpu.core_type<tc>, window_params = [{transform_indices = @transform_0, window_bounds = array<i64: 64, 96, 256>}, {pipeline_mode = #tpu.pipeline_mode<synchronous>, transform_indices = @transform_1, window_bounds = array<i64: 1, 96>}, {pipeline_mode = #tpu.pipeline_mode<synchronous>, transform_indices = @transform_2, window_bounds = array<i64: 1, 96>}, {transform_indices = @transform_3, window_bounds = array<i64: 64, 96>}]} {
    %get3A = arith.constant 0 : index
    %get3A_0 = arith.constant 0 : index
    %get3A_1 = arith.constant 0 : index
    %get3A_2 = vector.load %arg1[%get3A, %get3A_0, %get3A_1] : memref<64x96x256xf32, #tpu.memory_space<vmem>>, vector<64x96x256xf32>
    %reduce_sum3A = arith.constant dense<0.000000e+00> : vector<64x96xf32>
    %reduce_sum3A_3 = vector.multi_reduction <add>, %get3A_2, %reduce_sum3A [2] : vector<64x96x256xf32> to vector<64x96xf32>
    %div3A = arith.constant 2.560000e+02 : f32
    %div3A_4 = vector.broadcast %div3A : f32 to vector<64x96xf32>
    %div3A_5 = arith.divf %reduce_sum3A_3, %div3A_4 : vector<64x96xf32>
    %reduce_sum3A_6 = arith.constant dense<0.000000e+00> : vector<64xf32>
    %reduce_sum3A_7 = vector.multi_reduction <add>, %div3A_5, %reduce_sum3A_6 [1] : vector<64x96xf32> to vector<64xf32>
    %broadcast_in_dim3A = vector.shape_cast %reduce_sum3A_7 : vector<64xf32> to vector<64x1xf32>
    %div3A_8 = arith.constant 9.600000e+01 : f32
    %div3A_9 = vector.broadcast %div3A_8 : f32 to vector<64x1xf32>
    %div3A_10 = arith.divf %broadcast_in_dim3A, %div3A_9 : vector<64x1xf32>
    %sub3A = vector.broadcast %div3A_10 : vector<64x1xf32> to vector<64x96xf32>
    %sub3A_11 = arith.subf %div3A_5, %sub3A : vector<64x96xf32>
    %integer_pow3A = arith.mulf %sub3A_11, %sub3A_11 : vector<64x96xf32>
    %reduce_sum3A_12 = arith.constant dense<0.000000e+00> : vector<64xf32>
    %reduce_sum3A_13 = vector.multi_reduction <add>, %integer_pow3A, %reduce_sum3A_12 [1] : vector<64x96xf32> to vector<64xf32>
    %broadcast_in_dim3A_14 = vector.shape_cast %reduce_sum3A_13 : vector<64xf32> to vector<64x1xf32>
    %div3A_15 = arith.constant 9.600000e+01 : f32
    %div3A_16 = vector.broadcast %div3A_15 : f32 to vector<64x1xf32>
    %div3A_17 = arith.divf %broadcast_in_dim3A_14, %div3A_16 : vector<64x1xf32>
    %sub3A_18 = vector.broadcast %div3A_10 : vector<64x1xf32> to vector<64x96xf32>
    %sub3A_19 = arith.subf %div3A_5, %sub3A_18 : vector<64x96xf32>
    %add3A = arith.constant 9.99999974E-6 : f32
    %add3A_20 = vector.broadcast %add3A : f32 to vector<64x1xf32>
    %add3A_21 = arith.addf %div3A_17, %add3A_20 : vector<64x1xf32>
    %sqrt3A = math.sqrt %add3A_21 : vector<64x1xf32>
    %div3A_22 = vector.broadcast %sqrt3A : vector<64x1xf32> to vector<64x96xf32>
    %div3A_23 = arith.divf %sub3A_19, %div3A_22 : vector<64x96xf32>
    %get3A_24 = arith.constant 0 : index
    %get3A_25 = arith.constant 0 : index
    %get3A_26 = vector.load %arg2[%get3A_24, %get3A_25] : memref<1x96xf32, #tpu.memory_space<vmem>>, vector<1x96xf32>
    %mul3A = vector.broadcast %get3A_26 : vector<1x96xf32> to vector<64x96xf32>
    %mul3A_27 = arith.mulf %div3A_23, %mul3A : vector<64x96xf32>
    %get3A_28 = arith.constant 0 : index
    %get3A_29 = arith.constant 0 : index
    %get3A_30 = vector.load %arg3[%get3A_28, %get3A_29] : memref<1x96xf32, #tpu.memory_space<vmem>>, vector<1x96xf32>
    %add3A_31 = vector.broadcast %get3A_30 : vector<1x96xf32> to vector<64x96xf32>
    %add3A_32 = arith.addf %mul3A_27, %add3A_31 : vector<64x96xf32>
    %swap3A = arith.constant 0 : index
    %swap3A_33 = arith.constant 0 : index
    %swap3A_34 = vector.load %arg4[%swap3A, %swap3A_33] : memref<64x96xf32, #tpu.memory_space<vmem>>, vector<64x96xf32>
    tpu.vector_store %arg4[%swap3A, %swap3A_33], %add3A_32 {strides = array<i32>} : memref<64x96xf32, #tpu.memory_space<vmem>>, vector<64x96xf32>,
    return
  }
  func.func @transform_0(%arg0: i32) -> (i32, i32, i32) {
    %c0_i32 = arith.constant 0 : i32
    %c0_i32_0 = arith.constant 0 : i32
    %c0_i32_1 = arith.constant 0 : i32
    return %arg0, %c0_i32, %c0_i32_0 : i32, i32, i32
  }
  func.func @transform_1(%arg0: i32) -> (i32, i32) {
    %c0_i32 = arith.constant 0 : i32
    %c0_i32_0 = arith.constant 0 : i32
    %c0_i32_1 = arith.constant 0 : i32
    return %c0_i32, %c0_i32_0 : i32, i32
  }
  func.func @transform_2(%arg0: i32) -> (i32, i32) {
    %c0_i32 = arith.constant 0 : i32
    %c0_i32_0 = arith.constant 0 : i32
    %c0_i32_1 = arith.constant 0 : i32
    return %c0_i32, %c0_i32_0 : i32, i32
  }
  func.func @transform_3(%arg0: i32) -> (i32, i32) {
    %c0_i32 = arith.constant 0 : i32
    %c0_i32_0 = arith.constant 0 : i32
    return %arg0, %c0_i32 : i32, i32
  }
}

module attributes {stable_mosaic.version = 14 : i64} {
  func.func @_attn_argmax_kernel(%arg0: i32, %arg1: memref<1x1024x96xf32, #tpu.memory_space<vmem>>, %arg2: memref<1x1x1024xi32, #tpu.memory_space<vmem>>) attributes {dimension_semantics = [#tpu.dimension_semantics<arbitrary>], iteration_bounds = array<i64: 2>, scalar_prefetch = 0 : i64, scratch_operands = 0 : i64, tpu.core_type = #tpu.core_type<tc>, window_params = [{transform_indices = @transform_0, window_bounds = array<i64: 1, 1024, 96>}, {transform_indices = @transform_1, window_bounds = array<i64: 1, 1, 1024>}]} {
    %get3A = arith.constant 0 : index
    %get3A_0 = arith.constant 0 : index
    %get3A_1 = arith.constant 0 : index
    %get3A_2 = vector.load %arg1[%get3A, %get3A_0, %get3A_1] : memref<1x1024x96xf32, #tpu.memory_space<vmem>>, vector<1x1024x96xf32>
    %get3A_3 = vector.shape_cast %get3A_2 : vector<1x1024x96xf32> to vector<1024x96xf32>
    %transpose3A = tpu.transpose %get3A_3, [1, 0] : vector<1024x96xf32> -> vector<96x1024xf32>
    %dot_general3A = arith.constant dense<0.000000e+00> : vector<1024x1024xf32>
    %dot_general3A_4 = tpu.matmul %get3A_3, %transpose3A, %dot_general3A {dimension_numbers = #tpu.dot_dimension_numbers<[1], [0], [0], [1], [0, 0, 1, 1], [], []>, transpose_lhs_hint = false} : vector<1024x96xf32>, vector<96x1024xf32>, vector<1024x1024xf32> -> vector<1024x1024xf32>
    %mul3A = arith.constant 0.102062076 : f32
    %mul3A_5 = vector.broadcast %mul3A : f32 to vector<1024x1024xf32>
    %mul3A_6 = arith.mulf %dot_general3A_4, %mul3A_5 : vector<1024x1024xf32>
    %iota3A = tpu.iota {dimensions = array<i32: 0>} : vector<1024x1024xi32>
    %iota3A_7 = tpu.iota {dimensions = array<i32: 1>} : vector<1024x1024xi32>
    %eq3A = arith.cmpi eq, %iota3A, %iota3A_7 : vector<1024x1024xi32>
    %sub3A = arith.constant 1.000000e+02 : f32
    %sub3A_8 = vector.broadcast %sub3A : f32 to vector<1024x1024xf32>
    %sub3A_9 = arith.subf %mul3A_6, %sub3A_8 : vector<1024x1024xf32>
    %select_n3A = arith.select %eq3A, %sub3A_9, %mul3A_6 : vector<1024x1024xi1>, vector<1024x1024xf32>
    %argmax3A = tpu.reduce_index %select_n3A {axis = 1 : i32, kind = #tpu.reduction_kind<arg_max>} : vector<1024x1024xf32> -> vector<1024xi32>
    %swap3A = arith.constant 0 : index
    %swap3A_10 = arith.constant 0 : index
    %swap3A_11 = arith.constant 0 : index
    %swap3A_12 = vector.load %arg2[%swap3A, %swap3A_10, %swap3A_11] : memref<1x1x1024xi32, #tpu.memory_space<vmem>>, vector<1x1x1024xi32>
    %swap3A_13 = vector.shape_cast %swap3A_12 : vector<1x1x1024xi32> to vector<1024xi32>
    %swap3A_14 = vector.shape_cast %argmax3A : vector<1024xi32> to vector<1x1x1024xi32>
    tpu.vector_store %arg2[%swap3A, %swap3A_10, %swap3A_11], %swap3A_14 {strides = array<i32>} : memref<1x1x1024xi32, #tpu.memory_space<vmem>>, vector<1x1x1024xi32>,
    return
  }
  func.func @transform_0(%arg0: i32) -> (i32, i32, i32) {
    %c0_i32 = arith.constant 0 : i32
    %c0_i32_0 = arith.constant 0 : i32
    %c0_i32_1 = arith.constant 0 : i32
    return %arg0, %c0_i32, %c0_i32_0 : i32, i32, i32
  }
  func.func @transform_1(%arg0: i32) -> (i32, i32, i32) {
    %c0_i32 = arith.constant 0 : i32
    %c0_i32_0 = arith.constant 0 : i32
    %c0_i32_1 = arith.constant 0 : i32
    return %arg0, %c0_i32, %c0_i32_0 : i32, i32, i32
  }
}

module attributes {stable_mosaic.version = 14 : i64} {
  func.func @_gather_kernel(%arg0: i32, %arg1: memref<2048xi32, #tpu.memory_space<smem>>, %arg2: memref<1x96x256xf32, #tpu.memory_space<vmem>>, %arg3: memref<1x96x256xf32, #tpu.memory_space<vmem>>) attributes {dimension_semantics = [#tpu.dimension_semantics<arbitrary>], iteration_bounds = array<i64: 2048>, scalar_prefetch = 1 : i64, scratch_operands = 0 : i64, tpu.core_type = #tpu.core_type<tc>, window_params = [{transform_indices = @transform_0, window_bounds = array<i64: 1, 96, 256>}, {transform_indices = @transform_1, window_bounds = array<i64: 1, 96, 256>}]} {
    %get3A = arith.constant 0 : index
    %get3A_0 = arith.constant 0 : index
    %get3A_1 = arith.constant 0 : index
    %get3A_2 = vector.load %arg2[%get3A, %get3A_0, %get3A_1] : memref<1x96x256xf32, #tpu.memory_space<vmem>>, vector<1x96x256xf32>
    %swap3A = arith.constant 0 : index
    %swap3A_3 = arith.constant 0 : index
    %swap3A_4 = arith.constant 0 : index
    %swap3A_5 = vector.load %arg3[%swap3A, %swap3A_3, %swap3A_4] : memref<1x96x256xf32, #tpu.memory_space<vmem>>, vector<1x96x256xf32>
    tpu.vector_store %arg3[%swap3A, %swap3A_3, %swap3A_4], %get3A_2 {strides = array<i32>} : memref<1x96x256xf32, #tpu.memory_space<vmem>>, vector<1x96x256xf32>,
    return
  }
  func.func @transform_0(%arg0: i32, %arg1: memref<2048xi32, #tpu.memory_space<smem>>) -> (i32, i32, i32) {
    %get3A = arith.index_cast %arg0 : i32 to index
    %get3A_0 = memref.load %arg1[%get3A] : memref<2048xi32, #tpu.memory_space<smem>>
    %c0_i32 = arith.constant 0 : i32
    %c0_i32_1 = arith.constant 0 : i32
    %c0_i32_2 = arith.constant 0 : i32
    return %get3A_0, %c0_i32, %c0_i32_1 : i32, i32, i32
  }
  func.func @transform_1(%arg0: i32, %arg1: memref<2048xi32, #tpu.memory_space<smem>>) -> (i32, i32, i32) {
    %c0_i32 = arith.constant 0 : i32
    %c0_i32_0 = arith.constant 0 : i32
    %c0_i32_1 = arith.constant 0 : i32
    return %arg0, %c0_i32, %c0_i32_0 : i32, i32, i32
  }
}

</mosaic_0001>

<sc_bundles>
// kernel: sparse-core-data-format-call.cloned.1.call-start
scs
called_computation_lowered:
.L_overlay_start_0:
0x0: {  	s2 =	sld [smem:$0x3FD9]  }
0x1: {  	s3 =	sld [smem:$0x3FFE];
	_ =	sdelay $0x1  }
0x2: {  	s1 =	srdreg.scid  }
0x3: {  	s0 =	sand.u32 $0x1, s1  }
0x4: {  	s18 =	sshll.u32 s0, $0xA;
	s2 =	sadd.s32 s3, s2  }
0x5: {  	s2 =	sadd.s32 s2, s18  }
0x6: {  	[smem:$0x3FC5] =	sst s2  }
0x7: {  	_ = 	snop  }
0x8: {  	s2 =	sld [smem:$0x3FD0];
	(tm) =	ssettm $0x1  }
0x9: {  	s19 =	sld [smem:$0x3FFB];
	_ =	sdelay $0x3  }
0xa: {  	_ =	strace s19  }
0xb: {  	s3 =	sld [smem:$0x3FFC];
	_ =	sdelay $0x3  }
0xc: {  	_ =	strace s3  }
0xd: {  	s3 =	sld [smem:$0x3FFD];
	_ =	sdelay $0x3  }
0xe: {  	_ =	strace s3  }
0xf: {  	_ =	strace $0x8FFFFFFF  }
0x10: {  	s20 =	sld [smem:$0x3FDB];
	_ =	sdelay $0x1  }
0x11: {  	s4 =	simm.s32 $_scs_section_size  }
0x12: {  	s5 =	simm.s32 $_size__tile_overlayer_lowered;
	s6 =	simm.s32 $_tile_overlayer_lowered  }
0x13: {  	s23 =	simm.s32 $0x1BFF;
	s22 =	sshll.u32 s6, $0x1;
	s3 =	sadd.s32 s4, s20  }
0x14: {  	s7 =	simm.s32 $0x0;
	s21 =	sshll.u32 s5, $0x1;
	s5 =	sadd.s32 s22, s3  }
0x15: {  	[timem:s7], [sflag:s23] =	dma.local [hbm:s5], s21  }
0x16: {  	_ =	swait.ge [sflag:s23], s21  }
0x17: {  	s4 =	ssub.s32 $0x0, s21;
	[sflag:s23] =	ssyncset.done $0x0  }
0x18: {  	[sflag:s23] =	ssyncadd.s32 s4;
	_ =	sdelay $0x1  }
0x19: {  	s24 =	simm.s32 $0x1B8B  }
0x1a: {  	_ =	swait.ge [sflag:s24], $0x1  }
0x1b: {  	[sflag:s24] =	ssyncset.done $0x0  }
0x1c: {  	s26 =	simm.s32 $0x1B8E;
	s25 =	sld [smem:$0x3FFE];
	[sflag:s24] =	ssyncadd.s32 $0xFFFFFFFF  }
0x1d: {  	s27 =	simm.s32 $execute0_lowered;
	[smem:$0x3FD2] =	sst s26  }
0x1e: {  	s5 =	sshll.u32 s27, $0x1;
	_ =	strace $0x80000046;
	[dreg:$0x1] =	wrdreg $0xFFFFFFFF  }
0x1f: {  	s28 =	simm.s32 $_size_execute0_lowered;
	s3 =	sadd.s32 s3, s5;
	[dreg:$0x0] =	wrdreg $0x0  }
0x20: {  	s5 =	sshll.u32 s28, $0x1;
	[dreg:$0x2] =	wrdreg s3  }
0x21: {  	[dreg:$0x3] =	wrdreg s5  }
0x22: {  	[dreg:$0x4] =	wrdreg $0xC0  }
0x23: {  	_ =	task [dreg:s7], $0x5FFFF  }
0x24: {  	[dreg:$0x1] =	wrdreg $0xFFFFFFFF  }
0x25: {  	[dreg:$0x0] =	wrdreg $0x60  }
0x26: {  	[dreg:$0x2] =	wrdreg s25  }
0x27: {  	[dreg:$0x3] =	wrdreg s2  }
0x28: {  	[dreg:$0x4] =	wrdreg $0x9  }
0x29: {  	_ =	task.clear_ibuf [dreg:s7], $0x5FFFF;
	_ =	strace $0x90000046  }
0x2a: {  	s29 =	simm.s32 $0x9;
	_ =	strace $0x80000048  }
0x2b: {  	_ =	swait.ge [sflag:s29], $0x1  }
0x2c: {  	[sflag:s29] =	ssyncadd.s32 $0xFFFFFFFF  }
0x2d: {  	_ =	strace $0x90000048  }
0x2e: {  	_ =	sfence  }
0x2f: {  	s30 =	sld [smem:$0x0];
	_ =	sdelay $0x2  }
0x30: {  	s31 =	sshll.u32 s1, $0xD;
	s1 =	sshrl.u32 s1, $0x2  }
0x31: {  	s3 =	sand.u32 $0x4000, s31;
	s1 =	sadd.s32 s1, s30  }
0x32: {  	s0 =	sor.u32 s3, s0;
	s1 =	sshll.u32 s1, $0x11  }
0x33: {  	s0 =	sor.u32 s1, s0  }
0x34: {  	s0 =	sadd.s32 $0x8F2B, s0  }
0x35: {  	[sflag:s0] =	ssyncadd.remote.s32 $0x1  }
0x36: {  	_ =	sfence.sel $0xFFFF  }
0x37: {  	[dreg:$0x0] =	wrdreg $0xFFFFFFFF;
	(pc) =	sbr.abs _section_cstart, $3  }
0x38: {  	[dreg:$0x1] =	wrdreg $0xFFFFFFFF  }
0x39: {  	_ =	task.clear_ibuf [dreg:s7], $0x2FFFF;
	_ =	strace $0x9FFFFFFF  }
0x3a: {  	(tm) =	ssettm $0x7FFFFFFF  }
0x3b: {  	_ =	shalt  }
tec
execute0_lowered:
.L_overlay_start_1:
0x0: {  	(tag) =	ssettag $0x1  }
0x1: {  	s1 =	rddreg [dreg:$0x0]  }
0x2: {  	s2 =	rddreg [dreg:$0x1]  }
0x3: {  	s0 =	rddreg [dreg:$0x2]  }
0x4: {  	s4 =	srdreg.scid;
	_ =	strace $0x80000047;
	s6 =	simm.s32 $0x2  }
0x5: {  	s12 =	simm.s32 $0x0;
	s7 =	simm.s32 $0x1800000;
	s13 =	simm.s32 $0x0  }
.Ltmp0:
0x6: {  	s14 =	simm.s32 $0x0;
	s9 =	simm.s32 $0x0;
	(pc) =	sbr.rel .LBB1_1-.Ltmp0, $4  }
0x7: {  	s10 =	simm.s32 $0x0;
	s3 =	sadd.s32 $0x800, s1;
	s4 =	sshll.u32 s4, $0x4  }
0x8: {  	s1 =	stileid.u32;
	s5 =	sand.u32 $0x10, s4;
	s4 =	simm.s32 $0x1  }
0x9: {  	s8 =	simm.s32 $0x0;
	s5 =	sor.u32 s1, s5;
	[sflag:s4] =	ssyncpa.u1 $0x0  }
0xa: {  	[sflag:s6] =	ssyncpa.u1 $0x0;
	s6 =	simm.s32 $0x2000;
	s11 =	smov.u32 s5  }
.LBB1_9:
0xb: {  	s15 =	sadd.s32 $0x8, s9  }
0xc: {  	s12 =	simm.s32 $0x1;
	p1 =	sgt.s32 s15, $0xF  }
0xd: {  	s12 =	simm.s32 @!p1 $0x0  }
0xe: {  	s16 =	sadd.s32 s12, s10  }
0xf: {  	s18 =	smov.u32 s11;
	s12 =	sadd.s32 $0x20, s11;
	p2 =	sgt.s32 s16, $0xF  }
0x10: {  	p0 =	slt.u32 s8, $0x2;
	s18 =	smov.u32 @p2 s12  }
0x11: {  	s8 =	sadd.s32 $0x1, s8;
	s15 =	simm.s32 @p1 $0x0;
	p1 =	sgt.s32 s18, $0x5F  }
0x12: {  	s18 =	smov.u32 @p1 s5;
	p1 =	sne.s32 s8, $0x62  }
.Ltmp1:
0x13: {  	s17 =	simm.s32 @!p0 $0x2;
	(pc) =	sbr.rel @!p1 .LBB1_10-.Ltmp1, $4  }
0x14: {  	_ =	swait.ge @!p0 [sflag:s17], $0x4000  }
0x15: {  	s13 =	smov.u32 s10;
	s14 =	smov.u32 s11;
	[sflag:s17] =	ssyncset.done @!p0 $0x0  }
0x16: {  	[sflag:s17] =	ssyncadd.s32 @!p0 $0xFFFFC000;
	s16 =	simm.s32 @p2 $0x0;
	s12 =	smov.u32 s9  }
0x17: {  	s9 =	smov.u32 s15;
	s10 =	smov.u32 s16;
	s11 =	smov.u32 s18  }
.LBB1_1:
0x18: {  	p0 =	sgt.u32 s8, $0x5F  }
0x19: {  	s15 =	sshll.u32 @!p0 s11, $0x10  }
0x1a: {  	s16 =	sxor.u32 @!p0 $0xFFFFFFFF, s8;
	s17 =	sshll.u32 @!p0 s10, $0xC;
	s15 =	sadd.s32 @!p0 s3, s15  }
0x1b: {  	s18 =	sshll.u32 @!p0 s9, $0x8;
	s16 =	sshll.u32 @!p0 s16, $0xE;
	s15 =	sadd.s32 @!p0 s17, s15  }
0x1c: {  	s16 =	sand.u32 @!p0 $0x4000, s16;
	s17 =	simm.s32 @!p0 $0x0;
	s15 =	sadd.s32 @!p0 s18, s15  }
0x1d: {  	[tilespmem:s16], [sflag:$0x1] =	stream.linear.gather @!p0 [hbm4b:s15+s17], $0x4000, $0x38;
	[tilespmem:$0x10000] =	vst v63  }
0x1e: {  	p0 =	seq.s32 s8, $0x0  }
0x1f: {  	p1 =	seq.s32 @!p0 s8, $0x61  }
0x20: {  	p0 =	por p0, p1  }
.Ltmp2:
0x21: {  	_ = 	snop;
	(pc) =	sbr.rel @p0 .LBB1_9-.Ltmp2, $1  }
0x22: {  	_ =	sdelay $0x3  }
0x23: {  	_ =	swait.ge [sflag:s4], $0x4000;
	s15 =	sshll.u32 s8, $0xE  }
0x24: {  	[sflag:s4] =	ssyncset.done $0x0;
	s16 =	sand.u32 $0x4000, s15  }
0x25: {  	s17 =	simm.s32 $0x0;
	[sflag:s4] =	ssyncadd.s32 $0xFFFFC000;
	s15 =	sor.u32 $0x8000, s16  }
.LBB1_3:
0x26: {  	s20 =	sshll.u32 s17, $0xB  }
0x27: {  	s21 =	sshll.u32 s17, $0x7;
	p1 =	por $0x1, $0x1;
	v1 =	vmov s20  }
0x28: {  	s18 =	sadd.s32 s20, s16;
	s19 =	sadd.s32 s21, s15;
	v0 =	vmov s21;
	s20 =	simm.s32 $0x0  }
.LBB1_4:
0x29: {  	s21 =	sshll.u32 s20, $0x7  }
0x2a: {  	s24 =	sadd.s32 s21, s18  }
0x2b: {  	v2 =	vmov s24  }
0x2c: {  	s23 =	sshll.u32 s20, $0xD;
	p0 =	por p1, p1;
	s22 =	simm.s32 $0x0  }
0x2d: {  	p1 =	por $0x1, $0x1;
	s20 =	sadd.s32 s23, s15;
	s21 =	sadd.s32 s21, s16;
	v3 =	vmov s23  }
.LBB1_5:
0x2e: {  	s22 =	sshll.u32 s22, $0x3  }
0x2f: {  	s23 =	sshra.s32 s22, $0x2  }
0x30: {  	v4 =	vld.idx.msk [tilespmem:v2+s23+$0x0 ss:$0x1], $0xffff;
	s23 =	sadd.s32 s23, s21  }
0x31: {  	v5 =	vld.idx.msk [tilespmem:v1+s23+$0x10 ss:$0x1], $0xffff  }
0x32: {  	v6 =	vld.idx.msk [tilespmem:v1+s23+$0x20 ss:$0x1], $0xffff  }
0x33: {  	s22 =	sand.u32 $0x3FFFFFF8, s22;
	v7 =	vld.idx.msk [tilespmem:v1+s23+$0x30 ss:$0x1], $0xffff  }
0x34: {  	s24 =	sadd.s32 s22, s20;
	v8 =	vld.idx.msk [tilespmem:v1+s23+$0x40 ss:$0x1], $0xffff  }
0x35: {  	s22 =	sadd.s32 s22, s19;
	[tilespmem:v0+s24+$0x0 ss:$0x1] =	vst.idx.msk $0xffff, v4;
	v4 =	vld.idx.msk [tilespmem:v1+s23+$0x50 ss:$0x1], $0xffff  }
0x36: {  	[tilespmem:v3+s22+$0x10 ss:$0x1] =	vst.idx.msk $0xffff, v5;
	v5 =	vld.idx.msk [tilespmem:v1+s23+$0x60 ss:$0x1], $0xffff  }
0x37: {  	v49 =	vld.idx.msk [tilespmem:v1+s23+$0x70 ss:$0x1], $0xffff;
	[tilespmem:v3+s22+$0x20 ss:$0x1] =	vst.idx.msk $0xffff, v6  }
0x38: {  	v50 =	vld.idx.msk [tilespmem:v1+s23+$0x100 ss:$0x1], $0xffff;
	[tilespmem:v3+s22+$0x30 ss:$0x1] =	vst.idx.msk $0xffff, v7  }
0x39: {  	v51 =	vld.idx.msk [tilespmem:v1+s23+$0x110 ss:$0x1], $0xffff;
	[tilespmem:v3+s22+$0x40 ss:$0x1] =	vst.idx.msk $0xffff, v8  }
0x3a: {  	[tilespmem:v3+s22+$0x50 ss:$0x1] =	vst.idx.msk $0xffff, v4;
	v4 =	vld.idx.msk [tilespmem:v1+s23+$0x120 ss:$0x1], $0xffff  }
0x3b: {  	[tilespmem:v3+s22+$0x60 ss:$0x1] =	vst.idx.msk $0xffff, v5;
	v5 =	vld.idx.msk [tilespmem:v1+s23+$0x130 ss:$0x1], $0xffff  }
0x3c: {  	v52 =	vld.idx.msk [tilespmem:v1+s23+$0x140 ss:$0x1], $0xffff;
	[tilespmem:v3+s22+$0x70 ss:$0x1] =	vst.idx.msk $0xffff, v49  }
0x3d: {  	v53 =	vld.idx.msk [tilespmem:v1+s23+$0x150 ss:$0x1], $0xffff;
	[tilespmem:v0+s24+$0x400 ss:$0x1] =	vst.idx.msk $0xffff, v50  }
0x3e: {  	v54 =	vld.idx.msk [tilespmem:v1+s23+$0x160 ss:$0x1], $0xffff;
	[tilespmem:v3+s22+$0x410 ss:$0x1] =	vst.idx.msk $0xffff, v51  }
0x3f: {  	[tilespmem:v3+s22+$0x420 ss:$0x1] =	vst.idx.msk $0xffff, v4;
	v4 =	vld.idx.msk [tilespmem:v1+s23+$0x170 ss:$0x1], $0xffff  }
0x40: {  	[tilespmem:v3+s22+$0x430 ss:$0x1] =	vst.idx.msk $0xffff, v5;
	v5 =	vld.idx.msk [tilespmem:v1+s23+$0x200 ss:$0x1], $0xffff  }
0x41: {  	v55 =	vld.idx.msk [tilespmem:v1+s23+$0x210 ss:$0x1], $0xffff;
	[tilespmem:v3+s22+$0x440 ss:$0x1] =	vst.idx.msk $0xffff, v52  }
0x42: {  	v56 =	vld.idx.msk [tilespmem:v1+s23+$0x220 ss:$0x1], $0xffff;
	[tilespmem:v3+s22+$0x450 ss:$0x1] =	vst.idx.msk $0xffff, v53  }
0x43: {  	v57 =	vld.idx.msk [tilespmem:v1+s23+$0x230 ss:$0x1], $0xffff;
	[tilespmem:v3+s22+$0x460 ss:$0x1] =	vst.idx.msk $0xffff, v54  }
0x44: {  	[tilespmem:v3+s22+$0x470 ss:$0x1] =	vst.idx.msk $0xffff, v4;
	v4 =	vld.idx.msk [tilespmem:v1+s23+$0x240 ss:$0x1], $0xffff  }
0x45: {  	[tilespmem:v0+s24+$0x800 ss:$0x1] =	vst.idx.msk $0xffff, v5;
	v5 =	vld.idx.msk [tilespmem:v1+s23+$0x250 ss:$0x1], $0xffff  }
0x46: {  	v58 =	vld.idx.msk [tilespmem:v1+s23+$0x260 ss:$0x1], $0xffff;
	[tilespmem:v3+s22+$0x810 ss:$0x1] =	vst.idx.msk $0xffff, v55  }
0x47: {  	v59 =	vld.idx.msk [tilespmem:v1+s23+$0x270 ss:$0x1], $0xffff;
	[tilespmem:v3+s22+$0x820 ss:$0x1] =	vst.idx.msk $0xffff, v56  }
0x48: {  	v60 =	vld.idx.msk [tilespmem:v1+s23+$0x300 ss:$0x1], $0xffff;
	[tilespmem:v3+s22+$0x830 ss:$0x1] =	vst.idx.msk $0xffff, v57  }
0x49: {  	[tilespmem:v3+s22+$0x840 ss:$0x1] =	vst.idx.msk $0xffff, v4;
	v4 =	vld.idx.msk [tilespmem:v1+s23+$0x310 ss:$0x1], $0xffff  }
0x4a: {  	[tilespmem:v3+s22+$0x850 ss:$0x1] =	vst.idx.msk $0xffff, v5;
	v5 =	vld.idx.msk [tilespmem:v1+s23+$0x320 ss:$0x1], $0xffff  }
0x4b: {  	v61 =	vld.idx.msk [tilespmem:v1+s23+$0x330 ss:$0x1], $0xffff;
	[tilespmem:v3+s22+$0x860 ss:$0x1] =	vst.idx.msk $0xffff, v58  }
0x4c: {  	v62 =	vld.idx.msk [tilespmem:v1+s23+$0x340 ss:$0x1], $0xffff;
	[tilespmem:v3+s22+$0x870 ss:$0x1] =	vst.idx.msk $0xffff, v59  }
0x4d: {  	v63 =	vld.idx.msk [tilespmem:v1+s23+$0x350 ss:$0x1], $0xffff;
	[tilespmem:v0+s24+$0xC00 ss:$0x1] =	vst.idx.msk $0xffff, v60  }
0x4e: {  	[tilespmem:v3+s22+$0xC10 ss:$0x1] =	vst.idx.msk $0xffff, v4;
	v4 =	vld.idx.msk [tilespmem:v1+s23+$0x360 ss:$0x1], $0xffff  }
0x4f: {  	p2 =	por p1, p1;
	[tilespmem:v3+s22+$0xC20 ss:$0x1] =	vst.idx.msk $0xffff, v5;
	v5 =	vld.idx.msk [tilespmem:v1+s23+$0x370 ss:$0x1], $0xffff  }
.Ltmp3:
0x50: {  	[tilespmem:v3+s22+$0xC30 ss:$0x1] =	vst.idx.msk $0xffff, v61;
	(pc) =	sbr.rel @p2 .LBB1_5-.Ltmp3, $4  }
0x51: {  	[tilespmem:v3+s22+$0xC40 ss:$0x1] =	vst.idx.msk $0xffff, v62  }
0x52: {  	[tilespmem:v3+s22+$0xC50 ss:$0x1] =	vst.idx.msk $0xffff, v63  }
0x53: {  	[tilespmem:v3+s22+$0xC60 ss:$0x1] =	vst.idx.msk $0xffff, v4  }
0x54: {  	p1 =	por $0x0, $0x0;
	[tilespmem:v3+s22+$0xC70 ss:$0x1] =	vst.idx.msk $0xffff, v5;
	s22 =	simm.s32 $0x200  }
.Ltmp4:
0x55: {  	(pc) =	sbr.rel @p0 .LBB1_4-.Ltmp4, $2  }
0x56: {  	_ =	sdelay $0x2  }
0x57: {  	s20 =	simm.s32 $0x1;
	p1 =	por $0x0, $0x0  }
0x58: {  	s17 =	sadd.s32 $0x1, s17  }
0x59: {  	p0 =	sne.s32 s17, $0x8  }
.Ltmp5:
0x5a: {  	_ = 	snop;
	(pc) =	sbr.rel @p0 .LBB1_3-.Ltmp5, $1  }
0x5b: {  	_ =	sdelay $0x3  }
0x5c: {  	s14 =	sshll.u32 s14, $0xF;
	s13 =	sshll.u32 s13, $0xB  }
.Ltmp6:
0x5d: {  	s16 =	sshll.u32 s12, $0x7;
	s14 =	sadd.s32 s2, s14;
	(pc) =	sbr.rel .LBB1_9-.Ltmp6, $4  }
0x5e: {  	s31 =	sshll.u32 s12, $0x4;
	s16 =	sand.u32 $0x400, s16;
	s13 =	sadd.s32 s13, s14  }
0x5f: {  	s12 =	sand.u32 $0x70, s31;
	s13 =	sadd.s32 s16, s13  }
0x60: {  	s12 =	sadd.s32 s12, s13  }
0x61: {  	[hbm4b:s12+s6] =	stream.strided.scatter [tilespmem:s15], [sflag:$0x2], $0x4000, s7, s6, $0x38;
	[tilespmem:$0x10000] =	vst v63  }
.LBB1_10:
0x62: {  	_ =	sfence.sel $0x180000  }
0x63: {  	s2 =	simm.s32 $0x1;
	[bflag:$0x0] =	sbarrier.arrive $0xFFFF  }
0x64: {  	s31 =	simm.s32 $0x2;
	[sflag:s2] =	ssyncpa.u1 $0x1  }
0x65: {  	[sflag:s31] =	ssyncpa.u1 $0x1  }
0x66: {  	p0 =	sne.s32 s1, $0x0;
	_ =	strace $0x90000047  }
0x67: {  	s0 =	sadd.s32 @!p0 $0x100000, s0;
	[bflag:$0x2] =	sbarrier.arrive $0xFFFF  }
0x68: {  	[sflag:s0] =	ssyncadd.tile.s32 @!p0 $0x1;
	_ =	shalt  }
.Lfunc_end1:
_tile_overlayer_lowered:
.L_overlay_start_2:
0x69: {  	(tag) =	ssettag $0x2  }
0x6a: {  	s0 =	rddreg [dreg:$0x0];
	s2 =	stileid.u32  }
0x6b: {  	s1 =	rddreg [dreg:$0x1];
	p0 =	sne.s32 s2, $0x0  }
0x6c: {  	s3 =	rddreg [dreg:$0x2];
	[bflag:$0x3] =	sbarrier.arrive $0xFFFF;
	s2 =	simm.s32 @!p0 $0x1C01  }
0x6d: {  	[timem:s3], [sflag:s2] =	dma.local @!p0 [hbm:s0], s1  }
0x6e: {  	s0 =	simm.s32 @!p0 $0x1  }
0x6f: {  	_ =	swait.ge @!p0 [sflag:s0], s1  }
0x70: {  	s1 =	ssub.s32 @!p0 $0x0, s1;
	[sflag:s0] =	ssyncset.done @!p0 $0x0  }
0x71: {  	[sflag:s0] =	ssyncadd.s32 @!p0 s1  }
0x72: {  	[bflag:$0x3] =	sbarrier.arrive $0xFFFF  }
0x73: {  	_ =	shalt  }

</sc_bundles>
